<compile_context>
chip_gen: v7x
topology: tpu7x:2x2x1
jax: 0.10.2.dev20260603
libtpu: 0.0.44.dev20260713+nightly
codegen_flags: <defaults>
</compile_context>

<pallas_src>
import jax
import jax.numpy as jnp
from jax import lax
from jax.experimental import pallas as pl
from jax.experimental.pallas import tpu as pltpu
from jax.experimental.pallas import tpu_sc as plsc

_INFO = plsc.get_sparse_core_info()
_NC = _INFO.num_cores
_NS = _INFO.num_subcores
_NW = _NC * _NS

_GRP = 128
_FIRE = 8


def _gather_body(table_hbm, idx_hbm, out_hbm, idx_v, rows_v, sem):
    wid = lax.axis_index("s") * _NC + lax.axis_index("c")
    G = idx_hbm.shape[1]
    rows_per_outer = _FIRE * _GRP
    pltpu.sync_copy(idx_hbm.at[wid], idx_v)

    def outer(o, carry):
        handles = []
        for k in range(_FIRE):
            g = o * _FIRE + k
            handles.append(
                pltpu.async_copy(
                    table_hbm.at[idx_v.at[g]],
                    rows_v.at[pl.ds(k * _GRP, _GRP)],
                    sem,
                )
            )
        for h in handles:
            h.wait()
        off = pl.multiple_of(
            wid * (G * _GRP) + o * rows_per_outer, rows_per_outer
        )
        pltpu.sync_copy(rows_v, out_hbm.at[pl.ds(off, rows_per_outer)])
        return carry

    lax.fori_loop(0, G // _FIRE, outer, 0)


def _sc_gather(table, idx3, n_rows):
    D = table.shape[1]
    G = idx3.shape[1]
    call = pl.kernel(
        _gather_body,
        out_type=jax.ShapeDtypeStruct((n_rows, D), jnp.float32),
        mesh=plsc.VectorSubcoreMesh(core_axis_name="c", subcore_axis_name="s"),
        scratch_types=[
            pltpu.VMEM((G, _GRP), jnp.int32),
            pltpu.VMEM((_FIRE * _GRP, D), jnp.float32),
            pltpu.SemaphoreType.DMA,
        ],
        compiler_params=pltpu.CompilerParams(use_tc_tiling_on_sc=False),
    )
    return call(table, idx3)


_BB = 4096


def _proj_body(e_ref, wt_ref, b_ref, out_ref):
    wt = wt_ref[...]
    bcol = b_ref[...]
    e = e_ref[...]
    parts = [
        jax.lax.dot_general(
            wt,
            e[:, 32 * q : 32 * (q + 1)],
            (((1,), (1,)), ((), ())),
            preferred_element_type=jnp.float32,
        )
        for q in range(4)
    ]
    yt = jnp.concatenate(parts, axis=1)
    out_ref[...] = (yt + bcol)[None]


def _tc_project(emb2, Wt, b2, B, L):
    Dout, D = Wt.shape
    nI = B // _BB
    M = _BB // 4
    return pl.pallas_call(
        _proj_body,
        grid=(L, nI),
        in_specs=[
            pl.BlockSpec((M, 128), lambda l, i: (l * nI + i, 0)),
            pl.BlockSpec((Dout, D), lambda l, i: (0, 0)),
            pl.BlockSpec((Dout, 1), lambda l, i: (0, 0)),
        ],
        out_specs=pl.BlockSpec((1, Dout, _BB), lambda l, i: (l, 0, i)),
        out_shape=jax.ShapeDtypeStruct((L, Dout, B), jnp.float32),
    )(emb2, Wt, b2)


def kernel(x, table, W, b):
    B, L = x.shape
    Dout = W.shape[1]
    N = B * L
    Q = _BB // 4
    xT = jnp.transpose(x).astype(jnp.int32)
    idxp = xT.reshape(N // _BB, 4, Q).transpose(0, 2, 1).reshape(N)
    idx3 = idxp.reshape(_NW, N // (_NW * _GRP), _GRP)
    emb = _sc_gather(table, idx3, N)
    emb2 = emb.reshape(N // 4, 128)
    outT = _tc_project(emb2, jnp.transpose(W), b.reshape(Dout, 1), B, L)
    return jnp.transpose(outT, (2, 0, 1))

# --- scband reference (transcript-rebuilt; emitter-appended) ---
"""Pipeline reference for scband-simple-model-11613591568509 (READ-ONLY COPY).

The authoritative reference and input builder live on the scoring server;
editing this copy changes nothing except your own understanding.
"""

import jax, jax.numpy as jnp
import numpy as np

VOCAB = 1000000
EMBED_DIM = 32
OUTPUT_DIM = 64
B = 16384
L = 50

def setup_inputs(seed: int = 0) -> dict:
    key = jax.random.key(seed)
    k1, k2, k3, k4 = jax.random.split(key, 4)
    x = jax.random.randint(k1, (B, L), 0, VOCAB, dtype=jnp.int64) if jax.config.jax_enable_x64 else jax.random.randint(k1, (B, L), 0, VOCAB, dtype=jnp.int32)
    table = jax.random.normal(k2, (VOCAB, EMBED_DIM), dtype=jnp.float32)
    W = jax.random.normal(k3, (EMBED_DIM, OUTPUT_DIM), dtype=jnp.float32) * (1.0 / np.sqrt(EMBED_DIM))
    b = jax.random.normal(k4, (OUTPUT_DIM,), dtype=jnp.float32) * 0.01
    return {"x": x, "table": table, "W": W, "b": b}

def reference(x, table, W, b):
    emb = jnp.take(table, x, axis=0)          # [B, L, EMBED_DIM] gather
    logits = jnp.dot(emb, W) + b              # [B, L, OUTPUT_DIM]
    return logits

if __name__ == "__main__":
    import jax
    _d = setup_inputs()
    print(jax.jit(kernel)(*tuple(_d.values())))

</pallas_src>

<mosaic_0001>
#map = affine_map<(d0, d1) -> (0, 0)>
#map1 = affine_map<(d0, d1) -> (0, 0, 0)>
module attributes {stable_mosaic.version = 14 : i64} {
  func.func @_gather_body(%arg0: i32, %arg1: i32, %arg2: memref<1000000x32xf32, #tpu.memory_space<hbm>>, %arg3: memref<32x200x128xi32, #tpu.memory_space<hbm>>, %arg4: memref<819200x32xf32, #tpu.memory_space<hbm>>, %arg5: memref<200x128xi32, #tpu.memory_space<vmem>>, %arg6: memref<1024x32xf32, #tpu.memory_space<vmem>>, %arg7: memref<!tpu.dma_semaphore, #tpu.memory_space<semaphore_mem>>) attributes {dimension_semantics = [#tpu.dimension_semantics<core_parallel>, #tpu.dimension_semantics<subcore_parallel>], iteration_bounds = array<i64: 2, 16>, scalar_prefetch = 0 : i64, scratch_operands = 3 : i64, tpu.core_type = #tpu.core_type<sc_vector_subcore>, window_params = [{transform_indices = #map}, {transform_indices = #map1}, {transform_indices = #map}]} {
    %mul3A = arith.constant 2 : i32
    %mul3A_0 = arith.muli %arg1, %mul3A : i32
    %add3A = arith.addi %mul3A_0, %arg0 : i32
    "tpu.region"() ({
      %run_scoped3A = tpu.sem_alloc : memref<!tpu.dma_semaphore, #tpu.memory_space<semaphore_mem>>
      %dma_start3A = arith.constant 0 : i32
      %dma_start3A_6 = arith.constant 0 : i32
      %dma_start3A_7 = tpu.memref_slice %arg3[%add3A, %dma_start3A, %dma_start3A_6] : memref<32x200x128xi32, #tpu.memory_space<hbm>> -> memref<1x200x128xi32, #tpu.memory_space<hbm>>
      %dma_start3A_8 = tpu.memref_squeeze %dma_start3A_7 : memref<1x200x128xi32, #tpu.memory_space<hbm>> -> memref<200x128xi32, #tpu.memory_space<hbm>>
      %dma_start3A_9 = arith.constant 0 : i32
      %dma_start3A_10 = arith.constant 0 : i32
      %dma_start3A_11 = tpu.memref_slice %arg3[%add3A, %dma_start3A_9, %dma_start3A_10] : memref<32x200x128xi32, #tpu.memory_space<hbm>> -> memref<1x200x128xi32, #tpu.memory_space<hbm>>
      %dma_start3A_12 = tpu.memref_squeeze %dma_start3A_11 : memref<1x200x128xi32, #tpu.memory_space<hbm>> -> memref<200x128xi32, #tpu.memory_space<hbm>>
      tpu.enqueue_dma source(%dma_start3A_12 : memref<200x128xi32, #tpu.memory_space<hbm>>) target(%arg5 : memref<200x128xi32, #tpu.memory_space<vmem>>) target_semaphore(%run_scoped3A : memref<!tpu.dma_semaphore, #tpu.memory_space<semaphore_mem>>)
      %dma_wait3A = arith.constant 0 : i32
      %dma_wait3A_13 = arith.constant 0 : i32
      %dma_wait3A_14 = tpu.memref_slice %arg3[%add3A, %dma_wait3A, %dma_wait3A_13] : memref<32x200x128xi32, #tpu.memory_space<hbm>> -> memref<1x200x128xi32, #tpu.memory_space<hbm>>
      %dma_wait3A_15 = tpu.memref_squeeze %dma_wait3A_14 : memref<1x200x128xi32, #tpu.memory_space<hbm>> -> memref<200x128xi32, #tpu.memory_space<hbm>>
      %dma_wait3A_16 = arith.constant 0 : i32
      %dma_wait3A_17 = arith.constant 0 : i32
      %dma_wait3A_18 = tpu.memref_slice %arg3[%add3A, %dma_wait3A_16, %dma_wait3A_17] : memref<32x200x128xi32, #tpu.memory_space<hbm>> -> memref<1x200x128xi32, #tpu.memory_space<hbm>>
      %dma_wait3A_19 = tpu.memref_squeeze %dma_wait3A_18 : memref<1x200x128xi32, #tpu.memory_space<hbm>> -> memref<200x128xi32, #tpu.memory_space<hbm>>
      tpu.wait_dma2 semaphore(%run_scoped3A : memref<!tpu.dma_semaphore, #tpu.memory_space<semaphore_mem>>) src(%dma_wait3A_19 : memref<200x128xi32, #tpu.memory_space<hbm>>) dst(%arg5 : memref<200x128xi32, #tpu.memory_space<vmem>>)
      tpu.yield
    }) : () -> ()
    %scan3A = arith.constant 0 : i32
    %scan3A_1 = arith.constant 0 : i32
    %scan3A_2 = arith.constant 25 : i32
    %scan3A_3 = arith.addi %scan3A_1, %scan3A_2 : i32
    %scan3A_4 = arith.constant 1 : i32
    scf.for %scan3A_6 = %scan3A_1 to %scan3A_3 step %scan3A_4  : i32 {
      %mul3A_7 = arith.constant 8 : i32
      %mul3A_8 = arith.muli %scan3A_6, %mul3A_7 : i32
      %add3A_9 = arith.constant 0 : i32
      %add3A_10 = arith.addi %mul3A_8, %add3A_9 : i32
      %dma_start3A = arith.constant 0 : i32
      %dma_start3A_11 = arith.constant 0 : i32
      %dma_start3A_12 = tpu.memref_slice %arg6[%dma_start3A, %dma_start3A_11] : memref<1024x32xf32, #tpu.memory_space<vmem>> -> memref<128x32xf32, #tpu.memory_space<vmem>>
      %dma_start3A_13 = arith.constant 0 : i32
      %dma_start3A_14 = tpu.memref_slice %arg5[%add3A_10, %dma_start3A_13] : memref<200x128xi32, #tpu.memory_space<vmem>> -> memref<1x128xi32, #tpu.memory_space<vmem>>
      %dma_start3A_15 = tpu.memref_squeeze %dma_start3A_14 : memref<1x128xi32, #tpu.memory_space<vmem>> -> memref<128xi32, #tpu.memory_space<vmem>>
      %dma_start3A_16 = arith.constant 0 : i32
      %dma_start3A_17 = arith.constant 0 : i32
      %dma_start3A_18 = tpu.memref_slice %arg2[%dma_start3A_16, %dma_start3A_17] : memref<1000000x32xf32, #tpu.memory_space<hbm>> -> memref<1000000x32xf32, #tpu.memory_space<hbm>>
      tpu.enqueue_indirect_dma source(%dma_start3A_18 : memref<1000000x32xf32, #tpu.memory_space<hbm>>) target(%dma_start3A_12 : memref<128x32xf32, #tpu.memory_space<vmem>>) offsets(%dma_start3A_15 : memref<128xi32, #tpu.memory_space<vmem>>) semaphore(%arg7 : memref<!tpu.dma_semaphore, #tpu.memory_space<semaphore_mem>>)
      %mul3A_19 = arith.constant 8 : i32
      %mul3A_20 = arith.muli %scan3A_6, %mul3A_19 : i32
      %add3A_21 = arith.constant 1 : i32
      %add3A_22 = arith.addi %mul3A_20, %add3A_21 : i32
      %dma_start3A_23 = arith.constant 128 : i32
      %dma_start3A_24 = arith.constant 0 : i32
      %dma_start3A_25 = tpu.memref_slice %arg6[%dma_start3A_23, %dma_start3A_24] : memref<1024x32xf32, #tpu.memory_space<vmem>> -> memref<128x32xf32, #tpu.memory_space<vmem>>
      %dma_start3A_26 = arith.constant 0 : i32
      %dma_start3A_27 = tpu.memref_slice %arg5[%add3A_22, %dma_start3A_26] : memref<200x128xi32, #tpu.memory_space<vmem>> -> memref<1x128xi32, #tpu.memory_space<vmem>>
      %dma_start3A_28 = tpu.memref_squeeze %dma_start3A_27 : memref<1x128xi32, #tpu.memory_space<vmem>> -> memref<128xi32, #tpu.memory_space<vmem>>
      %dma_start3A_29 = arith.constant 0 : i32
      %dma_start3A_30 = arith.constant 0 : i32
      %dma_start3A_31 = tpu.memref_slice %arg2[%dma_start3A_29, %dma_start3A_30] : memref<1000000x32xf32, #tpu.memory_space<hbm>> -> memref<1000000x32xf32, #tpu.memory_space<hbm>>
      tpu.enqueue_indirect_dma source(%dma_start3A_31 : memref<1000000x32xf32, #tpu.memory_space<hbm>>) target(%dma_start3A_25 : memref<128x32xf32, #tpu.memory_space<vmem>>) offsets(%dma_start3A_28 : memref<128xi32, #tpu.memory_space<vmem>>) semaphore(%arg7 : memref<!tpu.dma_semaphore, #tpu.memory_space<semaphore_mem>>)
      %mul3A_32 = arith.constant 8 : i32
      %mul3A_33 = arith.muli %scan3A_6, %mul3A_32 : i32
      %add3A_34 = arith.constant 2 : i32
      %add3A_35 = arith.addi %mul3A_33, %add3A_34 : i32
      %dma_start3A_36 = arith.constant 256 : i32
      %dma_start3A_37 = arith.constant 0 : i32
      %dma_start3A_38 = tpu.memref_slice %arg6[%dma_start3A_36, %dma_start3A_37] : memref<1024x32xf32, #tpu.memory_space<vmem>> -> memref<128x32xf32, #tpu.memory_space<vmem>>
      %dma_start3A_39 = arith.constant 0 : i32
      %dma_start3A_40 = tpu.memref_slice %arg5[%add3A_35, %dma_start3A_39] : memref<200x128xi32, #tpu.memory_space<vmem>> -> memref<1x128xi32, #tpu.memory_space<vmem>>
      %dma_start3A_41 = tpu.memref_squeeze %dma_start3A_40 : memref<1x128xi32, #tpu.memory_space<vmem>> -> memref<128xi32, #tpu.memory_space<vmem>>
      %dma_start3A_42 = arith.constant 0 : i32
      %dma_start3A_43 = arith.constant 0 : i32
      %dma_start3A_44 = tpu.memref_slice %arg2[%dma_start3A_42, %dma_start3A_43] : memref<1000000x32xf32, #tpu.memory_space<hbm>> -> memref<1000000x32xf32, #tpu.memory_space<hbm>>
      tpu.enqueue_indirect_dma source(%dma_start3A_44 : memref<1000000x32xf32, #tpu.memory_space<hbm>>) target(%dma_start3A_38 : memref<128x32xf32, #tpu.memory_space<vmem>>) offsets(%dma_start3A_41 : memref<128xi32, #tpu.memory_space<vmem>>) semaphore(%arg7 : memref<!tpu.dma_semaphore, #tpu.memory_space<semaphore_mem>>)
      %mul3A_45 = arith.constant 8 : i32
      %mul3A_46 = arith.muli %scan3A_6, %mul3A_45 : i32
      %add3A_47 = arith.constant 3 : i32
      %add3A_48 = arith.addi %mul3A_46, %add3A_47 : i32
      %dma_start3A_49 = arith.constant 384 : i32
      %dma_start3A_50 = arith.constant 0 : i32
      %dma_start3A_51 = tpu.memref_slice %arg6[%dma_start3A_49, %dma_start3A_50] : memref<1024x32xf32, #tpu.memory_space<vmem>> -> memref<128x32xf32, #tpu.memory_space<vmem>>
      %dma_start3A_52 = arith.constant 0 : i32
      %dma_start3A_53 = tpu.memref_slice %arg5[%add3A_48, %dma_start3A_52] : memref<200x128xi32, #tpu.memory_space<vmem>> -> memref<1x128xi32, #tpu.memory_space<vmem>>
      %dma_start3A_54 = tpu.memref_squeeze %dma_start3A_53 : memref<1x128xi32, #tpu.memory_space<vmem>> -> memref<128xi32, #tpu.memory_space<vmem>>
      %dma_start3A_55 = arith.constant 0 : i32
      %dma_start3A_56 = arith.constant 0 : i32
      %dma_start3A_57 = tpu.memref_slice %arg2[%dma_start3A_55, %dma_start3A_56] : memref<1000000x32xf32, #tpu.memory_space<hbm>> -> memref<1000000x32xf32, #tpu.memory_space<hbm>>
      tpu.enqueue_indirect_dma source(%dma_start3A_57 : memref<1000000x32xf32, #tpu.memory_space<hbm>>) target(%dma_start3A_51 : memref<128x32xf32, #tpu.memory_space<vmem>>) offsets(%dma_start3A_54 : memref<128xi32, #tpu.memory_space<vmem>>) semaphore(%arg7 : memref<!tpu.dma_semaphore, #tpu.memory_space<semaphore_mem>>)
      %mul3A_58 = arith.constant 8 : i32
      %mul3A_59 = arith.muli %scan3A_6, %mul3A_58 : i32
      %add3A_60 = arith.constant 4 : i32
      %add3A_61 = arith.addi %mul3A_59, %add3A_60 : i32
      %dma_start3A_62 = arith.constant 512 : i32
      %dma_start3A_63 = arith.constant 0 : i32
      %dma_start3A_64 = tpu.memref_slice %arg6[%dma_start3A_62, %dma_start3A_63] : memref<1024x32xf32, #tpu.memory_space<vmem>> -> memref<128x32xf32, #tpu.memory_space<vmem>>
      %dma_start3A_65 = arith.constant 0 : i32
      %dma_start3A_66 = tpu.memref_slice %arg5[%add3A_61, %dma_start3A_65] : memref<200x128xi32, #tpu.memory_space<vmem>> -> memref<1x128xi32, #tpu.memory_space<vmem>>
      %dma_start3A_67 = tpu.memref_squeeze %dma_start3A_66 : memref<1x128xi32, #tpu.memory_space<vmem>> -> memref<128xi32, #tpu.memory_space<vmem>>
      %dma_start3A_68 = arith.constant 0 : i32
      %dma_start3A_69 = arith.constant 0 : i32
      %dma_start3A_70 = tpu.memref_slice %arg2[%dma_start3A_68, %dma_start3A_69] : memref<1000000x32xf32, #tpu.memory_space<hbm>> -> memref<1000000x32xf32, #tpu.memory_space<hbm>>
      tpu.enqueue_indirect_dma source(%dma_start3A_70 : memref<1000000x32xf32, #tpu.memory_space<hbm>>) target(%dma_start3A_64 : memref<128x32xf32, #tpu.memory_space<vmem>>) offsets(%dma_start3A_67 : memref<128xi32, #tpu.memory_space<vmem>>) semaphore(%arg7 : memref<!tpu.dma_semaphore, #tpu.memory_space<semaphore_mem>>)
      %mul3A_71 = arith.constant 8 : i32
      %mul3A_72 = arith.muli %scan3A_6, %mul3A_71 : i32
      %add3A_73 = arith.constant 5 : i32
      %add3A_74 = arith.addi %mul3A_72, %add3A_73 : i32
      %dma_start3A_75 = arith.constant 640 : i32
      %dma_start3A_76 = arith.constant 0 : i32
      %dma_start3A_77 = tpu.memref_slice %arg6[%dma_start3A_75, %dma_start3A_76] : memref<1024x32xf32, #tpu.memory_space<vmem>> -> memref<128x32xf32, #tpu.memory_space<vmem>>
      %dma_start3A_78 = arith.constant 0 : i32
      %dma_start3A_79 = tpu.memref_slice %arg5[%add3A_74, %dma_start3A_78] : memref<200x128xi32, #tpu.memory_space<vmem>> -> memref<1x128xi32, #tpu.memory_space<vmem>>
      %dma_start3A_80 = tpu.memref_squeeze %dma_start3A_79 : memref<1x128xi32, #tpu.memory_space<vmem>> -> memref<128xi32, #tpu.memory_space<vmem>>
      %dma_start3A_81 = arith.constant 0 : i32
      %dma_start3A_82 = arith.constant 0 : i32
      %dma_start3A_83 = tpu.memref_slice %arg2[%dma_start3A_81, %dma_start3A_82] : memref<1000000x32xf32, #tpu.memory_space<hbm>> -> memref<1000000x32xf32, #tpu.memory_space<hbm>>
      tpu.enqueue_indirect_dma source(%dma_start3A_83 : memref<1000000x32xf32, #tpu.memory_space<hbm>>) target(%dma_start3A_77 : memref<128x32xf32, #tpu.memory_space<vmem>>) offsets(%dma_start3A_80 : memref<128xi32, #tpu.memory_space<vmem>>) semaphore(%arg7 : memref<!tpu.dma_semaphore, #tpu.memory_space<semaphore_mem>>)
      %mul3A_84 = arith.constant 8 : i32
      %mul3A_85 = arith.muli %scan3A_6, %mul3A_84 : i32
      %add3A_86 = arith.constant 6 : i32
      %add3A_87 = arith.addi %mul3A_85, %add3A_86 : i32
      %dma_start3A_88 = arith.constant 768 : i32
      %dma_start3A_89 = arith.constant 0 : i32
      %dma_start3A_90 = tpu.memref_slice %arg6[%dma_start3A_88, %dma_start3A_89] : memref<1024x32xf32, #tpu.memory_space<vmem>> -> memref<128x32xf32, #tpu.memory_space<vmem>>
      %dma_start3A_91 = arith.constant 0 : i32
      %dma_start3A_92 = tpu.memref_slice %arg5[%add3A_87, %dma_start3A_91] : memref<200x128xi32, #tpu.memory_space<vmem>> -> memref<1x128xi32, #tpu.memory_space<vmem>>
      %dma_start3A_93 = tpu.memref_squeeze %dma_start3A_92 : memref<1x128xi32, #tpu.memory_space<vmem>> -> memref<128xi32, #tpu.memory_space<vmem>>
      %dma_start3A_94 = arith.constant 0 : i32
      %dma_start3A_95 = arith.constant 0 : i32
      %dma_start3A_96 = tpu.memref_slice %arg2[%dma_start3A_94, %dma_start3A_95] : memref<1000000x32xf32, #tpu.memory_space<hbm>> -> memref<1000000x32xf32, #tpu.memory_space<hbm>>
      tpu.enqueue_indirect_dma source(%dma_start3A_96 : memref<1000000x32xf32, #tpu.memory_space<hbm>>) target(%dma_start3A_90 : memref<128x32xf32, #tpu.memory_space<vmem>>) offsets(%dma_start3A_93 : memref<128xi32, #tpu.memory_space<vmem>>) semaphore(%arg7 : memref<!tpu.dma_semaphore, #tpu.memory_space<semaphore_mem>>)
      %mul3A_97 = arith.constant 8 : i32
      %mul3A_98 = arith.muli %scan3A_6, %mul3A_97 : i32
      %add3A_99 = arith.constant 7 : i32
      %add3A_100 = arith.addi %mul3A_98, %add3A_99 : i32
      %dma_start3A_101 = arith.constant 896 : i32
      %dma_start3A_102 = arith.constant 0 : i32
      %dma_start3A_103 = tpu.memref_slice %arg6[%dma_start3A_101, %dma_start3A_102] : memref<1024x32xf32, #tpu.memory_space<vmem>> -> memref<128x32xf32, #tpu.memory_space<vmem>>
      %dma_start3A_104 = arith.constant 0 : i32
      %dma_start3A_105 = tpu.memref_slice %arg5[%add3A_100, %dma_start3A_104] : memref<200x128xi32, #tpu.memory_space<vmem>> -> memref<1x128xi32, #tpu.memory_space<vmem>>
      %dma_start3A_106 = tpu.memref_squeeze %dma_start3A_105 : memref<1x128xi32, #tpu.memory_space<vmem>> -> memref<128xi32, #tpu.memory_space<vmem>>
      %dma_start3A_107 = arith.constant 0 : i32
      %dma_start3A_108 = arith.constant 0 : i32
      %dma_start3A_109 = tpu.memref_slice %arg2[%dma_start3A_107, %dma_start3A_108] : memref<1000000x32xf32, #tpu.memory_space<hbm>> -> memref<1000000x32xf32, #tpu.memory_space<hbm>>
      tpu.enqueue_indirect_dma source(%dma_start3A_109 : memref<1000000x32xf32, #tpu.memory_space<hbm>>) target(%dma_start3A_103 : memref<128x32xf32, #tpu.memory_space<vmem>>) offsets(%dma_start3A_106 : memref<128xi32, #tpu.memory_space<vmem>>) semaphore(%arg7 : memref<!tpu.dma_semaphore, #tpu.memory_space<semaphore_mem>>)
      %dma_wait3A = arith.constant 0 : i32
      %dma_wait3A_110 = arith.constant 0 : i32
      %dma_wait3A_111 = tpu.memref_slice %arg6[%dma_wait3A, %dma_wait3A_110] : memref<1024x32xf32, #tpu.memory_space<vmem>> -> memref<128x32xf32, #tpu.memory_space<vmem>>
      %dma_wait3A_112 = arith.constant 0 : i32
      %dma_wait3A_113 = tpu.memref_slice %arg5[%add3A_10, %dma_wait3A_112] : memref<200x128xi32, #tpu.memory_space<vmem>> -> memref<1x128xi32, #tpu.memory_space<vmem>>
      %dma_wait3A_114 = tpu.memref_squeeze %dma_wait3A_113 : memref<1x128xi32, #tpu.memory_space<vmem>> -> memref<128xi32, #tpu.memory_space<vmem>>
      %dma_wait3A_115 = arith.constant 0 : i32
      %dma_wait3A_116 = arith.constant 0 : i32
      %dma_wait3A_117 = tpu.memref_slice %arg2[%dma_wait3A_115, %dma_wait3A_116] : memref<1000000x32xf32, #tpu.memory_space<hbm>> -> memref<1000000x32xf32, #tpu.memory_space<hbm>>
      tpu.wait_indirect_dma semaphore(%arg7 : memref<!tpu.dma_semaphore, #tpu.memory_space<semaphore_mem>>) src(%dma_wait3A_117 : memref<1000000x32xf32, #tpu.memory_space<hbm>>) dst(%dma_wait3A_111 : memref<128x32xf32, #tpu.memory_space<vmem>>)
      %dma_wait3A_118 = arith.constant 128 : i32
      %dma_wait3A_119 = arith.constant 0 : i32
      %dma_wait3A_120 = tpu.memref_slice %arg6[%dma_wait3A_118, %dma_wait3A_119] : memref<1024x32xf32, #tpu.memory_space<vmem>> -> memref<128x32xf32, #tpu.memory_space<vmem>>
      %dma_wait3A_121 = arith.constant 0 : i32
      %dma_wait3A_122 = tpu.memref_slice %arg5[%add3A_22, %dma_wait3A_121] : memref<200x128xi32, #tpu.memory_space<vmem>> -> memref<1x128xi32, #tpu.memory_space<vmem>>
      %dma_wait3A_123 = tpu.memref_squeeze %dma_wait3A_122 : memref<1x128xi32, #tpu.memory_space<vmem>> -> memref<128xi32, #tpu.memory_space<vmem>>
      %dma_wait3A_124 = arith.constant 0 : i32
      %dma_wait3A_125 = arith.constant 0 : i32
      %dma_wait3A_126 = tpu.memref_slice %arg2[%dma_wait3A_124, %dma_wait3A_125] : memref<1000000x32xf32, #tpu.memory_space<hbm>> -> memref<1000000x32xf32, #tpu.memory_space<hbm>>
      tpu.wait_indirect_dma semaphore(%arg7 : memref<!tpu.dma_semaphore, #tpu.memory_space<semaphore_mem>>) src(%dma_wait3A_126 : memref<1000000x32xf32, #tpu.memory_space<hbm>>) dst(%dma_wait3A_120 : memref<128x32xf32, #tpu.memory_space<vmem>>)
      %dma_wait3A_127 = arith.constant 256 : i32
      %dma_wait3A_128 = arith.constant 0 : i32
      %dma_wait3A_129 = tpu.memref_slice %arg6[%dma_wait3A_127, %dma_wait3A_128] : memref<1024x32xf32, #tpu.memory_space<vmem>> -> memref<128x32xf32, #tpu.memory_space<vmem>>
      %dma_wait3A_130 = arith.constant 0 : i32
      %dma_wait3A_131 = tpu.memref_slice %arg5[%add3A_35, %dma_wait3A_130] : memref<200x128xi32, #tpu.memory_space<vmem>> -> memref<1x128xi32, #tpu.memory_space<vmem>>
      %dma_wait3A_132 = tpu.memref_squeeze %dma_wait3A_131 : memref<1x128xi32, #tpu.memory_space<vmem>> -> memref<128xi32, #tpu.memory_space<vmem>>
      %dma_wait3A_133 = arith.constant 0 : i32
      %dma_wait3A_134 = arith.constant 0 : i32
      %dma_wait3A_135 = tpu.memref_slice %arg2[%dma_wait3A_133, %dma_wait3A_134] : memref<1000000x32xf32, #tpu.memory_space<hbm>> -> memref<1000000x32xf32, #tpu.memory_space<hbm>>
      tpu.wait_indirect_dma semaphore(%arg7 : memref<!tpu.dma_semaphore, #tpu.memory_space<semaphore_mem>>) src(%dma_wait3A_135 : memref<1000000x32xf32, #tpu.memory_space<hbm>>) dst(%dma_wait3A_129 : memref<128x32xf32, #tpu.memory_space<vmem>>)
      %dma_wait3A_136 = arith.constant 384 : i32
      %dma_wait3A_137 = arith.constant 0 : i32
      %dma_wait3A_138 = tpu.memref_slice %arg6[%dma_wait3A_136, %dma_wait3A_137] : memref<1024x32xf32, #tpu.memory_space<vmem>> -> memref<128x32xf32, #tpu.memory_space<vmem>>
      %dma_wait3A_139 = arith.constant 0 : i32
      %dma_wait3A_140 = tpu.memref_slice %arg5[%add3A_48, %dma_wait3A_139] : memref<200x128xi32, #tpu.memory_space<vmem>> -> memref<1x128xi32, #tpu.memory_space<vmem>>
      %dma_wait3A_141 = tpu.memref_squeeze %dma_wait3A_140 : memref<1x128xi32, #tpu.memory_space<vmem>> -> memref<128xi32, #tpu.memory_space<vmem>>
      %dma_wait3A_142 = arith.constant 0 : i32
      %dma_wait3A_143 = arith.constant 0 : i32
      %dma_wait3A_144 = tpu.memref_slice %arg2[%dma_wait3A_142, %dma_wait3A_143] : memref<1000000x32xf32, #tpu.memory_space<hbm>> -> memref<1000000x32xf32, #tpu.memory_space<hbm>>
      tpu.wait_indirect_dma semaphore(%arg7 : memref<!tpu.dma_semaphore, #tpu.memory_space<semaphore_mem>>) src(%dma_wait3A_144 : memref<1000000x32xf32, #tpu.memory_space<hbm>>) dst(%dma_wait3A_138 : memref<128x32xf32, #tpu.memory_space<vmem>>)
      %dma_wait3A_145 = arith.constant 512 : i32
      %dma_wait3A_146 = arith.constant 0 : i32
      %dma_wait3A_147 = tpu.memref_slice %arg6[%dma_wait3A_145, %dma_wait3A_146] : memref<1024x32xf32, #tpu.memory_space<vmem>> -> memref<128x32xf32, #tpu.memory_space<vmem>>
      %dma_wait3A_148 = arith.constant 0 : i32
      %dma_wait3A_149 = tpu.memref_slice %arg5[%add3A_61, %dma_wait3A_148] : memref<200x128xi32, #tpu.memory_space<vmem>> -> memref<1x128xi32, #tpu.memory_space<vmem>>
      %dma_wait3A_150 = tpu.memref_squeeze %dma_wait3A_149 : memref<1x128xi32, #tpu.memory_space<vmem>> -> memref<128xi32, #tpu.memory_space<vmem>>
      %dma_wait3A_151 = arith.constant 0 : i32
      %dma_wait3A_152 = arith.constant 0 : i32
      %dma_wait3A_153 = tpu.memref_slice %arg2[%dma_wait3A_151, %dma_wait3A_152] : memref<1000000x32xf32, #tpu.memory_space<hbm>> -> memref<1000000x32xf32, #tpu.memory_space<hbm>>
      tpu.wait_indirect_dma semaphore(%arg7 : memref<!tpu.dma_semaphore, #tpu.memory_space<semaphore_mem>>) src(%dma_wait3A_153 : memref<1000000x32xf32, #tpu.memory_space<hbm>>) dst(%dma_wait3A_147 : memref<128x32xf32, #tpu.memory_space<vmem>>)
      %dma_wait3A_154 = arith.constant 640 : i32
      %dma_wait3A_155 = arith.constant 0 : i32
      %dma_wait3A_156 = tpu.memref_slice %arg6[%dma_wait3A_154, %dma_wait3A_155] : memref<1024x32xf32, #tpu.memory_space<vmem>> -> memref<128x32xf32, #tpu.memory_space<vmem>>
      %dma_wait3A_157 = arith.constant 0 : i32
      %dma_wait3A_158 = tpu.memref_slice %arg5[%add3A_74, %dma_wait3A_157] : memref<200x128xi32, #tpu.memory_space<vmem>> -> memref<1x128xi32, #tpu.memory_space<vmem>>
      %dma_wait3A_159 = tpu.memref_squeeze %dma_wait3A_158 : memref<1x128xi32, #tpu.memory_space<vmem>> -> memref<128xi32, #tpu.memory_space<vmem>>
      %dma_wait3A_160 = arith.constant 0 : i32
      %dma_wait3A_161 = arith.constant 0 : i32
      %dma_wait3A_162 = tpu.memref_slice %arg2[%dma_wait3A_160, %dma_wait3A_161] : memref<1000000x32xf32, #tpu.memory_space<hbm>> -> memref<1000000x32xf32, #tpu.memory_space<hbm>>
      tpu.wait_indirect_dma semaphore(%arg7 : memref<!tpu.dma_semaphore, #tpu.memory_space<semaphore_mem>>) src(%dma_wait3A_162 : memref<1000000x32xf32, #tpu.memory_space<hbm>>) dst(%dma_wait3A_156 : memref<128x32xf32, #tpu.memory_space<vmem>>)
      %dma_wait3A_163 = arith.constant 768 : i32
      %dma_wait3A_164 = arith.constant 0 : i32
      %dma_wait3A_165 = tpu.memref_slice %arg6[%dma_wait3A_163, %dma_wait3A_164] : memref<1024x32xf32, #tpu.memory_space<vmem>> -> memref<128x32xf32, #tpu.memory_space<vmem>>
      %dma_wait3A_166 = arith.constant 0 : i32
      %dma_wait3A_167 = tpu.memref_slice %arg5[%add3A_87, %dma_wait3A_166] : memref<200x128xi32, #tpu.memory_space<vmem>> -> memref<1x128xi32, #tpu.memory_space<vmem>>
      %dma_wait3A_168 = tpu.memref_squeeze %dma_wait3A_167 : memref<1x128xi32, #tpu.memory_space<vmem>> -> memref<128xi32, #tpu.memory_space<vmem>>
      %dma_wait3A_169 = arith.constant 0 : i32
      %dma_wait3A_170 = arith.constant 0 : i32
      %dma_wait3A_171 = tpu.memref_slice %arg2[%dma_wait3A_169, %dma_wait3A_170] : memref<1000000x32xf32, #tpu.memory_space<hbm>> -> memref<1000000x32xf32, #tpu.memory_space<hbm>>
      tpu.wait_indirect_dma semaphore(%arg7 : memref<!tpu.dma_semaphore, #tpu.memory_space<semaphore_mem>>) src(%dma_wait3A_171 : memref<1000000x32xf32, #tpu.memory_space<hbm>>) dst(%dma_wait3A_165 : memref<128x32xf32, #tpu.memory_space<vmem>>)
      %dma_wait3A_172 = arith.constant 896 : i32
      %dma_wait3A_173 = arith.constant 0 : i32
      %dma_wait3A_174 = tpu.memref_slice %arg6[%dma_wait3A_172, %dma_wait3A_173] : memref<1024x32xf32, #tpu.memory_space<vmem>> -> memref<128x32xf32, #tpu.memory_space<vmem>>
      %dma_wait3A_175 = arith.constant 0 : i32
      %dma_wait3A_176 = tpu.memref_slice %arg5[%add3A_100, %dma_wait3A_175] : memref<200x128xi32, #tpu.memory_space<vmem>> -> memref<1x128xi32, #tpu.memory_space<vmem>>
      %dma_wait3A_177 = tpu.memref_squeeze %dma_wait3A_176 : memref<1x128xi32, #tpu.memory_space<vmem>> -> memref<128xi32, #tpu.memory_space<vmem>>
      %dma_wait3A_178 = arith.constant 0 : i32
      %dma_wait3A_179 = arith.constant 0 : i32
      %dma_wait3A_180 = tpu.memref_slice %arg2[%dma_wait3A_178, %dma_wait3A_179] : memref<1000000x32xf32, #tpu.memory_space<hbm>> -> memref<1000000x32xf32, #tpu.memory_space<hbm>>
      tpu.wait_indirect_dma semaphore(%arg7 : memref<!tpu.dma_semaphore, #tpu.memory_space<semaphore_mem>>) src(%dma_wait3A_180 : memref<1000000x32xf32, #tpu.memory_space<hbm>>) dst(%dma_wait3A_174 : memref<128x32xf32, #tpu.memory_space<vmem>>)
      %mul3A_181 = arith.constant 25600 : i32
      %mul3A_182 = arith.muli %add3A, %mul3A_181 : i32
      %mul3A_183 = arith.constant 1024 : i32
      %mul3A_184 = arith.muli %scan3A_6, %mul3A_183 : i32
      %add3A_185 = arith.addi %mul3A_182, %mul3A_184 : i32
      %multiple_of3A = tpu.assume_multiple %add3A_185, 1024 : i32
      "tpu.region"() ({
        %run_scoped3A = tpu.sem_alloc : memref<!tpu.dma_semaphore, #tpu.memory_space<semaphore_mem>>
        %dma_start3A_186 = arith.constant 0 : i32
        %dma_start3A_187 = tpu.memref_slice %arg4[%multiple_of3A, %dma_start3A_186] : memref<819200x32xf32, #tpu.memory_space<hbm>> -> memref<1024x32xf32, #tpu.memory_space<hbm>>
        %dma_start3A_188 = arith.constant 0 : i32
        %dma_start3A_189 = tpu.memref_slice %arg4[%multiple_of3A, %dma_start3A_188] : memref<819200x32xf32, #tpu.memory_space<hbm>> -> memref<1024x32xf32, #tpu.memory_space<hbm>>
        tpu.enqueue_dma source(%arg6 : memref<1024x32xf32, #tpu.memory_space<vmem>>) target(%dma_start3A_189 : memref<1024x32xf32, #tpu.memory_space<hbm>>) target_semaphore(%run_scoped3A : memref<!tpu.dma_semaphore, #tpu.memory_space<semaphore_mem>>)
        %dma_wait3A_190 = arith.constant 0 : i32
        %dma_wait3A_191 = tpu.memref_slice %arg4[%multiple_of3A, %dma_wait3A_190] : memref<819200x32xf32, #tpu.memory_space<hbm>> -> memref<1024x32xf32, #tpu.memory_space<hbm>>
        %dma_wait3A_192 = arith.constant 0 : i32
        %dma_wait3A_193 = tpu.memref_slice %arg4[%multiple_of3A, %dma_wait3A_192] : memref<819200x32xf32, #tpu.memory_space<hbm>> -> memref<1024x32xf32, #tpu.memory_space<hbm>>
        tpu.wait_dma2 semaphore(%run_scoped3A : memref<!tpu.dma_semaphore, #tpu.memory_space<semaphore_mem>>) src(%arg6 : memref<1024x32xf32, #tpu.memory_space<vmem>>) dst(%dma_wait3A_193 : memref<1024x32xf32, #tpu.memory_space<hbm>>)
        tpu.yield
      }) : () -> ()
    }
    %scan3A_5 = arith.constant 25 : i32
    return
  }
}

module attributes {stable_mosaic.version = 14 : i64} {
  func.func @_proj_body(%arg0: i32, %arg1: i32, %arg2: memref<1024x128xf32, #tpu.memory_space<vmem>>, %arg3: memref<64x32xf32, #tpu.memory_space<vmem>>, %arg4: memref<64x1xf32, #tpu.memory_space<vmem>>, %arg5: memref<1x64x4096xf32, #tpu.memory_space<vmem>>) attributes {dimension_semantics = [#tpu.dimension_semantics<arbitrary>, #tpu.dimension_semantics<arbitrary>], iteration_bounds = array<i64: 50, 4>, scalar_prefetch = 0 : i64, scratch_operands = 0 : i64, tpu.core_type = #tpu.core_type<tc>, window_params = [{transform_indices = @transform_0, window_bounds = array<i64: 1024, 128>}, {pipeline_mode = #tpu.pipeline_mode<synchronous>, transform_indices = @transform_1, window_bounds = array<i64: 64, 32>}, {pipeline_mode = #tpu.pipeline_mode<synchronous>, transform_indices = @transform_2, window_bounds = array<i64: 64, 1>}, {transform_indices = @transform_3, window_bounds = array<i64: 1, 64, 4096>}]} {
    %get3A = arith.constant 0 : index
    %get3A_0 = arith.constant 0 : index
    %get3A_1 = vector.load %arg3[%get3A, %get3A_0] : memref<64x32xf32, #tpu.memory_space<vmem>>, vector<64x32xf32>
    %get3A_2 = arith.constant 0 : index
    %get3A_3 = arith.constant 0 : index
    %get3A_4 = vector.load %arg4[%get3A_2, %get3A_3] : memref<64x1xf32, #tpu.memory_space<vmem>>, vector<64x1xf32>
    %get3A_5 = arith.constant 0 : index
    %get3A_6 = arith.constant 0 : index
    %get3A_7 = vector.load %arg2[%get3A_5, %get3A_6] : memref<1024x128xf32, #tpu.memory_space<vmem>>, vector<1024x128xf32>
    %slice3A = vector.extract_strided_slice %get3A_7 {offsets = [0, 0], sizes = [1024, 32], strides = [1, 1]} : vector<1024x128xf32> to vector<1024x32xf32>
    %dot_general3A = arith.constant dense<0.000000e+00> : vector<64x1024xf32>
    %dot_general3A_8 = tpu.matmul %get3A_1, %slice3A, %dot_general3A {dimension_numbers = #tpu.dot_dimension_numbers<[1], [1], [0], [0], [0, 0, 1, 0], [], []>, transpose_lhs_hint = false} : vector<64x32xf32>, vector<1024x32xf32>, vector<64x1024xf32> -> vector<64x1024xf32>
    %slice3A_9 = vector.extract_strided_slice %get3A_7 {offsets = [0, 32], sizes = [1024, 32], strides = [1, 1]} : vector<1024x128xf32> to vector<1024x32xf32>
    %dot_general3A_10 = arith.constant dense<0.000000e+00> : vector<64x1024xf32>
    %dot_general3A_11 = tpu.matmul %get3A_1, %slice3A_9, %dot_general3A_10 {dimension_numbers = #tpu.dot_dimension_numbers<[1], [1], [0], [0], [0, 0, 1, 0], [], []>, transpose_lhs_hint = false} : vector<64x32xf32>, vector<1024x32xf32>, vector<64x1024xf32> -> vector<64x1024xf32>
    %slice3A_12 = vector.extract_strided_slice %get3A_7 {offsets = [0, 64], sizes = [1024, 32], strides = [1, 1]} : vector<1024x128xf32> to vector<1024x32xf32>
    %dot_general3A_13 = arith.constant dense<0.000000e+00> : vector<64x1024xf32>
    %dot_general3A_14 = tpu.matmul %get3A_1, %slice3A_12, %dot_general3A_13 {dimension_numbers = #tpu.dot_dimension_numbers<[1], [1], [0], [0], [0, 0, 1, 0], [], []>, transpose_lhs_hint = false} : vector<64x32xf32>, vector<1024x32xf32>, vector<64x1024xf32> -> vector<64x1024xf32>
    %slice3A_15 = vector.extract_strided_slice %get3A_7 {offsets = [0, 96], sizes = [1024, 32], strides = [1, 1]} : vector<1024x128xf32> to vector<1024x32xf32>
    %dot_general3A_16 = arith.constant dense<0.000000e+00> : vector<64x1024xf32>
    %dot_general3A_17 = tpu.matmul %get3A_1, %slice3A_15, %dot_general3A_16 {dimension_numbers = #tpu.dot_dimension_numbers<[1], [1], [0], [0], [0, 0, 1, 0], [], []>, transpose_lhs_hint = false} : vector<64x32xf32>, vector<1024x32xf32>, vector<64x1024xf32> -> vector<64x1024xf32>
    %concatenate3A = tpu.concatenate %dot_general3A_8, %dot_general3A_11, %dot_general3A_14, %dot_general3A_17 in 1 : vector<64x1024xf32>, vector<64x1024xf32>, vector<64x1024xf32>, vector<64x1024xf32> -> vector<64x4096xf32>
    %add3A = vector.broadcast %get3A_4 : vector<64x1xf32> to vector<64x4096xf32>
    %add3A_18 = arith.addf %concatenate3A, %add3A : vector<64x4096xf32>
    %broadcast_in_dim3A = vector.shape_cast %add3A_18 : vector<64x4096xf32> to vector<1x64x4096xf32>
    %swap3A = arith.constant 0 : index
    %swap3A_19 = arith.constant 0 : index
    %swap3A_20 = arith.constant 0 : index
    %swap3A_21 = vector.load %arg5[%swap3A, %swap3A_19, %swap3A_20] : memref<1x64x4096xf32, #tpu.memory_space<vmem>>, vector<1x64x4096xf32>
    tpu.vector_store %arg5[%swap3A, %swap3A_19, %swap3A_20], %broadcast_in_dim3A {strides = array<i32>} : memref<1x64x4096xf32, #tpu.memory_space<vmem>>, vector<1x64x4096xf32>,
    return
  }
  func.func @transform_0(%arg0: i32, %arg1: i32) -> (i32, i32) {
    %mul3A = arith.constant 4 : i32
    %mul3A_0 = arith.muli %arg0, %mul3A : i32
    %add3A = arith.addi %mul3A_0, %arg1 : i32
    %c0_i32 = arith.constant 0 : i32
    %c0_i32_1 = arith.constant 0 : i32
    return %add3A, %c0_i32 : i32, i32
  }
  func.func @transform_1(%arg0: i32, %arg1: i32) -> (i32, i32) {
    %c0_i32 = arith.constant 0 : i32
    %c0_i32_0 = arith.constant 0 : i32
    %c0_i32_1 = arith.constant 0 : i32
    return %c0_i32, %c0_i32_0 : i32, i32
  }
  func.func @transform_2(%arg0: i32, %arg1: i32) -> (i32, i32) {
    %c0_i32 = arith.constant 0 : i32
    %c0_i32_0 = arith.constant 0 : i32
    %c0_i32_1 = arith.constant 0 : i32
    return %c0_i32, %c0_i32_0 : i32, i32
  }
  func.func @transform_3(%arg0: i32, %arg1: i32) -> (i32, i32, i32) {
    %c0_i32 = arith.constant 0 : i32
    %c0_i32_0 = arith.constant 0 : i32
    return %arg0, %c0_i32, %arg1 : i32, i32, i32
  }
}

</mosaic_0001>

<sc_bundles>
// kernel: kernel.4.cloned.1.call-start
scs
__scs_entry_jumppad:
0x0: {  	(pc) =	sbr.rel $0x88, $3  }
0x1: {  	(tag) =	ssettag $0x0;
	lr =	simm.s32 $0x1  }
0x2: {  	[smem:$0x3F9D] =	sst lr;
	_ =	strace $0xD0000000  }
0x3: {  	_ = 	snop  }
0x4: {  	_ = 	snop  }
0x5: {  	_ = 	snop  }
0x6: {  	_ = 	snop  }
0x7: {  	_ = 	snop  }
__scs_overlays_trampoline_lowered:
0x8: {  	[smem:$0x3FAC] =	sst s0  }
0x9: {  	[smem:$0x3FAD] =	sst s1  }
0xa: {  	[smem:$0x3FAE] =	sst s2  }
0xb: {  	[smem:$0x3FAF] =	sst s3  }
0xc: {  	[smem:$0x3FB0] =	sst s4  }
0xd: {  	[smem:$0x3FB1] =	sst s5  }
0xe: {  	[smem:$0x3FB2] =	sst s6  }
0xf: {  	[smem:$0x3FB3] =	sst s7  }
0x10: {  	[smem:$0x3FB4] =	sst s8  }
0x11: {  	[smem:$0x3FB5] =	sst s9;
	s0 =	simm.s32 @!p0 $0x0  }
0x12: {  	s1 =	sld [smem:$0x3F9B];
	s0 =	simm.s32 @p0 $0x1  }
0x13: {  	[smem:$0x3FB6] =	sst s0;
	s0 =	simm.s32 @!p1 $0x0  }
0x14: {  	s2 =	sld [smem:$0x3F9A];
	s0 =	simm.s32 @p1 $0x1  }
0x15: {  	[smem:$0x3FB7] =	sst s0;
	s0 =	simm.s32 @!p2 $0x0  }
0x16: {  	s3 =	sld [smem:$0x3FDB];
	s0 =	simm.s32 @p2 $0x1  }
0x17: {  	s4 =	simm.s32 $0x1BF5;
	[smem:$0x3FB9] =	sst s0  }
0x18: {  	s0 =	sld [smem:$0x3F9C];
	_ =	swait.ge [sflag:s4], $0x0  }
0x19: {  	s7 =	sld [smem:$0x3F9D]  }
0x1a: {  	s8 =	sadd.s32 $0xFFFFE003, lr  }
0x1b: {  	s9 =	sadd.s32 $0xFFFFFEF7, lr;
	s5 =	simm.s32 $0xFFFFFFFF;
	p2 =	slt.u32 s8, $0xFFFFF086  }
0x1c: {  	p1 =	slt.u32 s9, $0xF7A;
	s5 =	simm.s32 @!p2 $0x0  }
0x1d: {  	s5 =	simm.s32 @p1 $0x1;
	p0 =	seq.s32 s7, s2  }
0x1e: {  	s7 =	smul.u32 @!p0 $0xF7A, s2;
	p2 =	seq.s32 @!p0 s5, $0x0  }
0x1f: {  	s9 =	smul.u32 $0xF7A, s1;
	s8 =	simm.s32 @!p0 $0x1BF5;
	p2 =	por !p2, p0  }
0x20: {  	[sflag:s8] =	ssyncset.s32 @!p0 $0xFFFFF086;
	s6 =	sadd.s32 @!p0 s3, s7;
	s7 =	simm.s32 @!p0 $0x108  }
0x21: {  	s3 =	sadd.s32 s3, s9;
	s6 =	sadd.s32 @!p0 $0x88, s6;
	s7 =	simm.s32 @p2 $0x1082  }
0x22: {  	[simem:s7], [sflag:s8] =	dma.local @!p0 [hbm:s6], $0xF7A  }
0x23: {  	s9 =	sor.u32 $0xD0000000, s2;
	s6 =	simm.s32 $0x108;
	_ =	swait.ge @!p0 [sflag:s8], $0x0  }
0x24: {  	s3 =	sadd.s32 $0x88, s3;
	s6 =	simm.s32 @!p1 $0x1082;
	[sflag:s4] =	ssyncset.s32 $0xFFFFF086  }
0x25: {  	[simem:s6], [sflag:s4] =	dma.local [hbm:s3], $0xF7A  }
0x26: {  	[smem:$0x3F9D] =	sst s1;
	(tag) =	ssettag s2;
	_ =	strace s9  }
0x27: {  	s1 =	sld [smem:$0x3FAD]  }
0x28: {  	s2 =	sld [smem:$0x3FAE]  }
0x29: {  	s4 =	sld [smem:$0x3FB0]  }
0x2a: {  	p0 =	seq.s32 s5, $0x0;
	s5 =	sld [smem:$0x3FB1]  }
0x2b: {  	s6 =	sld [smem:$0x3FB2]  }
0x2c: {  	s7 =	sld [smem:$0x3FB3]  }
0x2d: {  	s3 =	simm.s32 $0x108;
	s8 =	sld [smem:$0x3FB4]  }
0x2e: {  	s3 =	simm.s32 @!p0 $0x1082;
	s9 =	sld [smem:$0x3FB5]  }
0x2f: {  	lr =	sadd.s32 s0, s3;
	s0 =	sld [smem:$0x3FAC]  }
0x30: {  	s3 =	sld [smem:$0x3FAF]  }
0x31: {  	[smem:$0x3FB8] =	sst s10  }
0x32: {  	s10 =	sld [smem:$0x3FB6];
	_ =	sdelay $0x3  }
0x33: {  	p0 =	seq.s32 s10, $0x1;
	s10 =	sld [smem:$0x3FB8];
	_ =	sdelay $0x3  }
0x34: {  	[smem:$0x3FB8] =	sst s10  }
0x35: {  	s10 =	sld [smem:$0x3FB7];
	_ =	sdelay $0x3  }
0x36: {  	p1 =	seq.s32 s10, $0x1;
	s10 =	sld [smem:$0x3FB8];
	_ =	sdelay $0x3  }
0x37: {  	[smem:$0x3FB8] =	sst s10  }
0x38: {  	s10 =	sld [smem:$0x3FB9]  }
0x39: {  	_ = 	snop;
	(pc) =	sbr.ind lr, $3  }
0x3a: {  	_ = 	snop  }
0x3b: {  	_ = 	snop  }
0x3c: {  	p2 =	seq.s32 s10, $0x1;
	s10 =	sld [smem:$0x3FB8]  }
0x3d: {  	_ =	shalt  }
0x3e: {  	_ =	shalt  }
0x3f: {  	_ =	shalt  }
0x40: {  	_ =	shalt  }
0x41: {  	_ =	shalt  }
0x42: {  	_ =	shalt  }
0x43: {  	_ =	shalt  }
0x44: {  	_ =	shalt  }
0x45: {  	_ =	shalt  }
0x46: {  	_ =	shalt  }
0x47: {  	_ =	shalt  }
0x48: {  	_ =	shalt  }
0x49: {  	_ =	shalt  }
0x4a: {  	_ =	shalt  }
0x4b: {  	_ =	shalt  }
0x4c: {  	_ =	shalt  }
0x4d: {  	_ =	shalt  }
0x4e: {  	_ =	shalt  }
0x4f: {  	_ =	shalt  }
0x50: {  	_ =	shalt  }
0x51: {  	_ =	shalt  }
0x52: {  	_ =	shalt  }
0x53: {  	_ =	shalt  }
0x54: {  	_ =	shalt  }
0x55: {  	_ =	shalt  }
0x56: {  	_ =	shalt  }
0x57: {  	_ =	shalt  }
0x58: {  	_ =	shalt  }
0x59: {  	_ =	shalt  }
0x5a: {  	_ =	shalt  }
0x5b: {  	_ =	shalt  }
0x5c: {  	_ =	shalt  }
0x5d: {  	_ =	shalt  }
0x5e: {  	_ =	shalt  }
0x5f: {  	_ =	shalt  }
0x60: {  	_ =	shalt  }
0x61: {  	_ =	shalt  }
0x62: {  	_ =	shalt  }
0x63: {  	_ =	shalt  }
0x64: {  	_ =	shalt  }
0x65: {  	_ =	shalt  }
0x66: {  	_ =	shalt  }
0x67: {  	_ =	shalt  }
0x68: {  	_ =	shalt  }
0x69: {  	_ =	shalt  }
0x6a: {  	_ =	shalt  }
0x6b: {  	_ =	shalt  }
0x6c: {  	_ =	shalt  }
0x6d: {  	_ =	shalt  }
0x6e: {  	_ =	shalt  }
0x6f: {  	_ =	shalt  }
0x70: {  	_ =	shalt  }
0x71: {  	_ =	shalt  }
0x72: {  	_ =	shalt  }
0x73: {  	_ =	shalt  }
0x74: {  	_ =	shalt  }
0x75: {  	_ =	shalt  }
0x76: {  	_ =	shalt  }
0x77: {  	_ =	shalt  }
0x78: {  	_ =	shalt  }
0x79: {  	_ =	shalt  }
0x7a: {  	_ =	shalt  }
0x7b: {  	_ =	shalt  }
0x7c: {  	_ =	shalt  }
0x7d: {  	_ =	shalt  }
0x7e: {  	_ =	shalt  }
0x7f: {  	_ =	shalt  }
0x80: {  	_ =	shalt  }
0x81: {  	_ =	shalt  }
0x82: {  	_ =	shalt  }
0x83: {  	_ =	shalt  }
0x84: {  	_ =	shalt  }
0x85: {  	_ =	shalt  }
0x86: {  	_ =	shalt  }
0x87: {  	_ =	shalt  }
.Lfunc_end0:
.L_simem_size_0:
called_computation_lowered:
.L_overlay_start_0:
0x88: {  	s2 =	sld [smem:$0x3FD9]  }
0x89: {  	s3 =	sld [smem:$0x3FFE];
	_ =	sdelay $0x1  }
0x8a: {  	s1 =	srdreg.scid  }
0x8b: {  	s0 =	sand.u32 $0x1, s1  }
0x8c: {  	s17 =	sshll.u32 s0, $0xA;
	s2 =	sadd.s32 s3, s2  }
0x8d: {  	s2 =	sadd.s32 s2, s17  }
0x8e: {  	[smem:$0x3FC4] =	sst s2  }
0x8f: {  	_ = 	snop  }
0x90: {  	s2 =	sld [smem:$0x3FD0];
	(tm) =	ssettm $0x1  }
0x91: {  	s18 =	sld [smem:$0x3FFB];
	_ =	sdelay $0x3  }
0x92: {  	_ =	strace s18  }
0x93: {  	s3 =	sld [smem:$0x3FFC];
	_ =	sdelay $0x3  }
0x94: {  	_ =	strace s3  }
0x95: {  	s3 =	sld [smem:$0x3FFD];
	_ =	sdelay $0x3  }
0x96: {  	_ =	strace s3  }
0x97: {  	_ =	strace $0x8FFFFFFF  }
0x98: {  	s19 =	sld [smem:$0x3FDB];
	_ =	sdelay $0x1  }
0x99: {  	s4 =	simm.s32 $_scs_section_size  }
0x9a: {  	s5 =	simm.s32 $_size__tile_overlayer_lowered;
	s6 =	simm.s32 $_tile_overlayer_lowered  }
0x9b: {  	s22 =	simm.s32 $0x1BFF;
	s21 =	sshll.u32 s6, $0x1;
	s3 =	sadd.s32 s4, s19  }
0x9c: {  	s7 =	simm.s32 $0x0;
	s20 =	sshll.u32 s5, $0x1;
	s5 =	sadd.s32 s21, s3  }
0x9d: {  	[timem:s7], [sflag:s22] =	dma.local [hbm:s5], s20  }
0x9e: {  	_ =	swait.ge [sflag:s22], s20  }
0x9f: {  	s4 =	ssub.s32 $0x0, s20;
	[sflag:s22] =	ssyncset.done $0x0  }
0xa0: {  	[sflag:s22] =	ssyncadd.s32 s4;
	_ =	sdelay $0x1  }
0xa1: {  	s23 =	simm.s32 $0x1B8B  }
0xa2: {  	_ =	swait.ge [sflag:s23], $0x1  }
0xa3: {  	[sflag:s23] =	ssyncset.done $0x0  }
0xa4: {  	s25 =	simm.s32 $0x1B8E;
	s24 =	sld [smem:$0x3FFE];
	[sflag:s23] =	ssyncadd.s32 $0xFFFFFFFF  }
0xa5: {  	s26 =	simm.s32 $execute0_lowered;
	[smem:$0x3FD2] =	sst s25  }
0xa6: {  	s5 =	sshll.u32 s26, $0x1;
	_ =	strace $0x80000046;
	[dreg:$0x1] =	wrdreg $0xFFFFFFFF  }
0xa7: {  	s28 =	simm.s32 $_size_execute0_lowered;
	s3 =	sadd.s32 s3, s5;
	[dreg:$0x0] =	wrdreg $0x0  }
0xa8: {  	s5 =	sshll.u32 s28, $0x1;
	[dreg:$0x2] =	wrdreg s3  }
0xa9: {  	[dreg:$0x3] =	wrdreg s5  }
0xaa: {  	[dreg:$0x4] =	wrdreg $0xC0  }
0xab: {  	_ =	task [dreg:s7], $0x5FFFF  }
0xac: {  	[dreg:$0x1] =	wrdreg $0xFFFFFFFF  }
0xad: {  	[dreg:$0x0] =	wrdreg $0x60  }
0xae: {  	[dreg:$0x2] =	wrdreg s2  }
0xaf: {  	[dreg:$0x3] =	wrdreg s24  }
0xb0: {  	[dreg:$0x4] =	wrdreg $0x9  }
0xb1: {  	_ =	task.clear_ibuf [dreg:s7], $0x5FFFF;
	_ =	strace $0x90000046  }
0xb2: {  	s29 =	simm.s32 $0x9;
	_ =	strace $0x80000048  }
0xb3: {  	_ =	swait.ge [sflag:s29], $0x1  }
0xb4: {  	[sflag:s29] =	ssyncadd.s32 $0xFFFFFFFF  }
0xb5: {  	_ =	strace $0x90000048  }
0xb6: {  	_ =	sfence  }
0xb7: {  	s30 =	sld [smem:$0x0];
	_ =	sdelay $0x2  }
0xb8: {  	s31 =	sshll.u32 s1, $0xD;
	s1 =	sshrl.u32 s1, $0x2  }
0xb9: {  	s3 =	sand.u32 $0x4000, s31;
	s1 =	sadd.s32 s1, s30  }
0xba: {  	s0 =	sor.u32 s3, s0;
	s1 =	sshll.u32 s1, $0x11  }
0xbb: {  	s0 =	sor.u32 s1, s0  }
0xbc: {  	s0 =	sadd.s32 $0x8F2B, s0  }
0xbd: {  	[sflag:s0] =	ssyncadd.remote.s32 $0x1  }
0xbe: {  	_ =	sfence.sel $0xFFFF  }
0xbf: {  	[dreg:$0x0] =	wrdreg $0xFFFFFFFF;
	(pc) =	sbr.abs _section_cstart, $3  }
0xc0: {  	[dreg:$0x1] =	wrdreg $0xFFFFFFFF  }
0xc1: {  	_ =	task.clear_ibuf [dreg:s7], $0x2FFFF;
	_ =	strace $0x9FFFFFFF  }
0xc2: {  	(tm) =	ssettm $0x7FFFFFFF  }
0xc3: {  	_ =	shalt  }
tec
execute0_lowered:
.L_overlay_start_1:
0x0: {  	(tag) =	ssettag $0x1  }
0x1: {  	s2 =	rddreg [dreg:$0x0]  }
0x2: {  	s4 =	rddreg [dreg:$0x1];
	s3 =	srdreg.scid  }
0x3: {  	s1 =	stileid.u32;
	s0 =	rddreg [dreg:$0x2];
	s9 =	simm.s32 $0x6400  }
0x4: {  	s10 =	simm.s32 $0x7400;
	s11 =	simm.s32 $0x8400;
	s12 =	simm.s32 $0x9400  }
0x5: {  	s13 =	simm.s32 $0xA400;
	s14 =	simm.s32 $0xB400;
	s15 =	simm.s32 $0xC400  }
0x6: {  	s16 =	simm.s32 $0xD400;
	s17 =	simm.s32 $0x1;
	s18 =	simm.s32 $0x0  }
0x7: {  	s5 =	sand.u32 $0x1, s3;
	s6 =	smul.u32 $0x190000, s1;
	s7 =	sshll.u32 s1, $0x1  }
0x8: {  	s3 =	simm.s32 $0x0;
	s8 =	smul.u32 $0xC8000, s5;
	s7 =	sor.u32 s5, s7  }
0x9: {  	[smem:$0x7FF] =	sst s3;
	s5 =	ssub.s32 $0x2, s5;
	s7 =	smul.u32 $0xC80, s7  }
0xa: {  	_ =	strace $0x80000047;
	s31 =	sshrl.u32 s5, $0x1;
	s6 =	sadd.s32 s8, s6  }
0xb: {  	s5 =	ssub.s32 s5, s31;
	s8 =	simm.s32 $0x80;
	s6 =	sshrl.u32 s6, $0x3  }
0xc: {  	s7 =	sadd.s32 s7, s4;
	s5 =	smax.u32 s5, $0x1;
	s6 =	sadd.s32 s6, s4  }
0xd: {  	s4 =	sadd.s32 $0x320A00, s7;
	s7 =	simm.s32 $0x2;
	s6 =	sadd.s32 $0xA00, s6  }
.LBB2_1:
0xe: {  	[tilespmem:s3], [sflag:$0x2] =	stream.linear.gather [hbm4b:s4+s3], $0x6400, $0x38;
	[tilespmem:$0xE400] =	vst v63  }
0xf: {  	_ =	swait.ge [sflag:s7], $0x6400  }
0x10: {  	[sflag:s7] =	ssyncset.done $0x0  }
0x11: {  	s19 =	simm.s32 $0x0;
	[sflag:s7] =	ssyncadd.s32 $0xFFFF9C00  }
0x12: {  	[tilespmem:s9], [sflag:$0x1] =	stream.indirect.gather [hbm4b:s2+s8], $0x20, s19, s8, $0xb8;
	[tilespmem:$0xE400] =	vst v63  }
0x13: {  	s23 =	simm.s32 $0x80  }
0x14: {  	[tilespmem:s10], [sflag:$0x1] =	stream.indirect.gather [hbm4b:s2+s8], $0x20, s23, s8, $0xb8;
	[tilespmem:$0xE400] =	vst v63  }
0x15: {  	s24 =	simm.s32 $0x100  }
0x16: {  	[tilespmem:s11], [sflag:$0x1] =	stream.indirect.gather [hbm4b:s2+s8], $0x20, s24, s8, $0xb8;
	[tilespmem:$0xE400] =	vst v63  }
0x17: {  	s25 =	simm.s32 $0x180  }
0x18: {  	[tilespmem:s12], [sflag:$0x1] =	stream.indirect.gather [hbm4b:s2+s8], $0x20, s25, s8, $0xb8;
	[tilespmem:$0xE400] =	vst v63  }
0x19: {  	s26 =	simm.s32 $0x200  }
0x1a: {  	[tilespmem:s13], [sflag:$0x1] =	stream.indirect.gather [hbm4b:s2+s8], $0x20, s26, s8, $0xb8;
	[tilespmem:$0xE400] =	vst v63  }
0x1b: {  	s28 =	simm.s32 $0x280  }
0x1c: {  	[tilespmem:s14], [sflag:$0x1] =	stream.indirect.gather [hbm4b:s2+s8], $0x20, s28, s8, $0xb8;
	[tilespmem:$0xE400] =	vst v63  }
0x1d: {  	s29 =	simm.s32 $0x300  }
0x1e: {  	[tilespmem:s15], [sflag:$0x1] =	stream.indirect.gather [hbm4b:s2+s8], $0x20, s29, s8, $0xb8;
	[tilespmem:$0xE400] =	vst v63  }
0x1f: {  	s30 =	simm.s32 $0x380  }
0x20: {  	[tilespmem:s16], [sflag:$0x1] =	stream.indirect.gather [hbm4b:s2+s8], $0x20, s30, s8, $0xb8;
	[tilespmem:$0xE400] =	vst v63  }
0x21: {  	_ =	swait.ge [sflag:s17], $0x1000  }
0x22: {  	[sflag:s17] =	ssyncset.done $0x0  }
0x23: {  	[sflag:s17] =	ssyncadd.s32 $0xFFFFF000  }
0x24: {  	_ =	swait.ge [sflag:s17], $0x1000  }
0x25: {  	[sflag:s17] =	ssyncset.done $0x0  }
0x26: {  	[sflag:s17] =	ssyncadd.s32 $0xFFFFF000  }
0x27: {  	_ =	swait.ge [sflag:s17], $0x1000  }
0x28: {  	[sflag:s17] =	ssyncset.done $0x0  }
0x29: {  	[sflag:s17] =	ssyncadd.s32 $0xFFFFF000  }
0x2a: {  	_ =	swait.ge [sflag:s17], $0x1000  }
0x2b: {  	[sflag:s17] =	ssyncset.done $0x0  }
0x2c: {  	[sflag:s17] =	ssyncadd.s32 $0xFFFFF000  }
0x2d: {  	_ =	swait.ge [sflag:s17], $0x1000  }
0x2e: {  	[sflag:s17] =	ssyncset.done $0x0  }
0x2f: {  	[sflag:s17] =	ssyncadd.s32 $0xFFFFF000  }
0x30: {  	_ =	swait.ge [sflag:s17], $0x1000  }
0x31: {  	[sflag:s17] =	ssyncset.done $0x0  }
0x32: {  	[sflag:s17] =	ssyncadd.s32 $0xFFFFF000  }
0x33: {  	_ =	swait.ge [sflag:s17], $0x1000  }
0x34: {  	[sflag:s17] =	ssyncset.done $0x0  }
0x35: {  	[sflag:s17] =	ssyncadd.s32 $0xFFFFF000  }
0x36: {  	_ =	swait.ge [sflag:s17], $0x1000  }
0x37: {  	[sflag:s17] =	ssyncset.done $0x0  }
0x38: {  	s31 =	sadd.s32 $0x0, s6;
	[sflag:s17] =	ssyncadd.s32 $0xFFFFF000  }
0x39: {  	[hbm4b:s31+s3] =	stream.linear.scatter [tilespmem:s9], [sflag:$0x2], $0x8000, $0x38;
	[tilespmem:$0xE400] =	vst v63  }
0x3a: {  	_ =	swait.ge [sflag:s7], $0x8000  }
0x3b: {  	s22 =	simm.s32 $0x2000;
	s19 =	simm.s32 $0x1000;
	[sflag:s7] =	ssyncset.done $0x0  }
.LBB2_2:
0x3c: {  	s23 =	sshra.s32 s19, $0x2  }
0x3d: {  	[sflag:s7] =	ssyncadd.s32 $0xFFFF8000;
	s21 =	smov.u32 s22;
	s20 =	sadd.s32 $0x1000, s22  }
0x3e: {  	[tilespmem:s9], [sflag:$0x1] =	stream.indirect.gather [hbm4b:s2+s8], $0x20, s23, s8, $0xb8;
	[tilespmem:$0xE400] =	vst v63  }
0x3f: {  	p0 =	sne.s32 s22, $0x18000;
	s22 =	sadd.s32 $0x80, s23  }
0x40: {  	[tilespmem:s10], [sflag:$0x1] =	stream.indirect.gather [hbm4b:s2+s8], $0x20, s22, s8, $0xb8;
	[tilespmem:$0xE400] =	vst v63  }
0x41: {  	s22 =	sadd.s32 $0x100, s23  }
0x42: {  	[tilespmem:s11], [sflag:$0x1] =	stream.indirect.gather [hbm4b:s2+s8], $0x20, s22, s8, $0xb8;
	[tilespmem:$0xE400] =	vst v63  }
0x43: {  	s22 =	sadd.s32 $0x180, s23  }
0x44: {  	[tilespmem:s12], [sflag:$0x1] =	stream.indirect.gather [hbm4b:s2+s8], $0x20, s22, s8, $0xb8;
	[tilespmem:$0xE400] =	vst v63  }
0x45: {  	s22 =	sadd.s32 $0x200, s23  }
0x46: {  	[tilespmem:s13], [sflag:$0x1] =	stream.indirect.gather [hbm4b:s2+s8], $0x20, s22, s8, $0xb8;
	[tilespmem:$0xE400] =	vst v63  }
0x47: {  	s22 =	sadd.s32 $0x280, s23  }
0x48: {  	[tilespmem:s14], [sflag:$0x1] =	stream.indirect.gather [hbm4b:s2+s8], $0x20, s22, s8, $0xb8;
	[tilespmem:$0xE400] =	vst v63  }
0x49: {  	s22 =	sadd.s32 $0x300, s23  }
0x4a: {  	[tilespmem:s15], [sflag:$0x1] =	stream.indirect.gather [hbm4b:s2+s8], $0x20, s22, s8, $0xb8;
	[tilespmem:$0xE400] =	vst v63  }
0x4b: {  	s22 =	sadd.s32 $0x380, s23  }
0x4c: {  	[tilespmem:s16], [sflag:$0x1] =	stream.indirect.gather [hbm4b:s2+s8], $0x20, s22, s8, $0xb8;
	[tilespmem:$0xE400] =	vst v63  }
0x4d: {  	_ =	swait.ge [sflag:s17], $0x1000  }
0x4e: {  	[sflag:s17] =	ssyncset.done $0x0  }
0x4f: {  	[sflag:s17] =	ssyncadd.s32 $0xFFFFF000  }
0x50: {  	_ =	swait.ge [sflag:s17], $0x1000  }
0x51: {  	[sflag:s17] =	ssyncset.done $0x0  }
0x52: {  	[sflag:s17] =	ssyncadd.s32 $0xFFFFF000  }
0x53: {  	_ =	swait.ge [sflag:s17], $0x1000  }
0x54: {  	[sflag:s17] =	ssyncset.done $0x0  }
0x55: {  	[sflag:s17] =	ssyncadd.s32 $0xFFFFF000  }
0x56: {  	_ =	swait.ge [sflag:s17], $0x1000  }
0x57: {  	[sflag:s17] =	ssyncset.done $0x0  }
0x58: {  	[sflag:s17] =	ssyncadd.s32 $0xFFFFF000  }
0x59: {  	_ =	swait.ge [sflag:s17], $0x1000  }
0x5a: {  	[sflag:s17] =	ssyncset.done $0x0  }
0x5b: {  	[sflag:s17] =	ssyncadd.s32 $0xFFFFF000  }
0x5c: {  	_ =	swait.ge [sflag:s17], $0x1000  }
0x5d: {  	[sflag:s17] =	ssyncset.done $0x0  }
0x5e: {  	[sflag:s17] =	ssyncadd.s32 $0xFFFFF000  }
0x5f: {  	_ =	swait.ge [sflag:s17], $0x1000  }
0x60: {  	[sflag:s17] =	ssyncset.done $0x0  }
0x61: {  	[sflag:s17] =	ssyncadd.s32 $0xFFFFF000  }
0x62: {  	_ =	swait.ge [sflag:s17], $0x1000  }
.Ltmp0:
0x63: {  	[sflag:s17] =	ssyncset.done $0x0;
	(pc) =	sbr.rel @p0 .LBB2_2-.Ltmp0, $4  }
0x64: {  	s22 =	sadd.s32 s19, s6;
	s19 =	smov.u32 s21;
	[sflag:s17] =	ssyncadd.s32 $0xFFFFF000  }
0x65: {  	[hbm4b:s22+s3] =	stream.linear.scatter [tilespmem:s9], [sflag:$0x2], $0x8000, $0x38;
	[tilespmem:$0xE400] =	vst v63  }
0x66: {  	_ =	swait.ge [sflag:s7], $0x8000  }
0x67: {  	s22 =	smov.u32 s20;
	[sflag:s7] =	ssyncset.done $0x0  }
0x68: {  	s20 =	sshra.s32 s19, $0x2;
	[sflag:s7] =	ssyncadd.s32 $0xFFFF8000  }
0x69: {  	[tilespmem:s9], [sflag:$0x1] =	stream.indirect.gather [hbm4b:s2+s8], $0x20, s20, s8, $0xb8;
	[tilespmem:$0xE400] =	vst v63  }
0x6a: {  	s21 =	sadd.s32 $0x80, s20  }
0x6b: {  	[tilespmem:s10], [sflag:$0x1] =	stream.indirect.gather [hbm4b:s2+s8], $0x20, s21, s8, $0xb8;
	[tilespmem:$0xE400] =	vst v63  }
0x6c: {  	s25 =	sadd.s32 $0x100, s20  }
0x6d: {  	[tilespmem:s11], [sflag:$0x1] =	stream.indirect.gather [hbm4b:s2+s8], $0x20, s25, s8, $0xb8;
	[tilespmem:$0xE400] =	vst v63  }
0x6e: {  	s26 =	sadd.s32 $0x180, s20  }
0x6f: {  	[tilespmem:s12], [sflag:$0x1] =	stream.indirect.gather [hbm4b:s2+s8], $0x20, s26, s8, $0xb8;
	[tilespmem:$0xE400] =	vst v63  }
0x70: {  	s28 =	sadd.s32 $0x200, s20  }
0x71: {  	[tilespmem:s13], [sflag:$0x1] =	stream.indirect.gather [hbm4b:s2+s8], $0x20, s28, s8, $0xb8;
	[tilespmem:$0xE400] =	vst v63  }
0x72: {  	s29 =	sadd.s32 $0x280, s20  }
0x73: {  	[tilespmem:s14], [sflag:$0x1] =	stream.indirect.gather [hbm4b:s2+s8], $0x20, s29, s8, $0xb8;
	[tilespmem:$0xE400] =	vst v63  }
0x74: {  	s30 =	sadd.s32 $0x300, s20  }
0x75: {  	[tilespmem:s15], [sflag:$0x1] =	stream.indirect.gather [hbm4b:s2+s8], $0x20, s30, s8, $0xb8;
	[tilespmem:$0xE400] =	vst v63  }
0x76: {  	s20 =	sadd.s32 $0x380, s20  }
0x77: {  	[tilespmem:s16], [sflag:$0x1] =	stream.indirect.gather [hbm4b:s2+s8], $0x20, s20, s8, $0xb8;
	[tilespmem:$0xE400] =	vst v63  }
0x78: {  	_ =	swait.ge [sflag:s17], $0x1000  }
0x79: {  	[sflag:s17] =	ssyncset.done $0x0  }
0x7a: {  	[sflag:s17] =	ssyncadd.s32 $0xFFFFF000  }
0x7b: {  	_ =	swait.ge [sflag:s17], $0x1000  }
0x7c: {  	[sflag:s17] =	ssyncset.done $0x0  }
0x7d: {  	[sflag:s17] =	ssyncadd.s32 $0xFFFFF000  }
0x7e: {  	_ =	swait.ge [sflag:s17], $0x1000  }
0x7f: {  	[sflag:s17] =	ssyncset.done $0x0  }
0x80: {  	[sflag:s17] =	ssyncadd.s32 $0xFFFFF000  }
0x81: {  	_ =	swait.ge [sflag:s17], $0x1000  }
0x82: {  	[sflag:s17] =	ssyncset.done $0x0  }
0x83: {  	[sflag:s17] =	ssyncadd.s32 $0xFFFFF000  }
0x84: {  	_ =	swait.ge [sflag:s17], $0x1000  }
0x85: {  	[sflag:s17] =	ssyncset.done $0x0  }
0x86: {  	[sflag:s17] =	ssyncadd.s32 $0xFFFFF000  }
0x87: {  	_ =	swait.ge [sflag:s17], $0x1000  }
0x88: {  	[sflag:s17] =	ssyncset.done $0x0  }
0x89: {  	[sflag:s17] =	ssyncadd.s32 $0xFFFFF000  }
0x8a: {  	_ =	swait.ge [sflag:s17], $0x1000  }
0x8b: {  	[sflag:s17] =	ssyncset.done $0x0  }
0x8c: {  	[sflag:s17] =	ssyncadd.s32 $0xFFFFF000  }
0x8d: {  	s18 =	sadd.s32 $0x1, s18;
	_ =	swait.ge [sflag:s17], $0x1000  }
0x8e: {  	p0 =	sne.s32 s18, s5;
	[sflag:s17] =	ssyncset.done $0x0  }
.Ltmp1:
0x8f: {  	s31 =	sadd.s32 s19, s6;
	[sflag:s17] =	ssyncadd.s32 $0xFFFFF000;
	(pc) =	sbr.rel @p0 .LBB2_1-.Ltmp1, $4  }
0x90: {  	[hbm4b:s31+s3] =	stream.linear.scatter [tilespmem:s9], [sflag:$0x2], $0x8000, $0x38;
	[tilespmem:$0xE400] =	vst v63  }
0x91: {  	_ =	swait.ge [sflag:s7], $0x8000  }
0x92: {  	[sflag:s7] =	ssyncset.done $0x0  }
0x93: {  	[sflag:s7] =	ssyncadd.s32 $0xFFFF8000  }
0x94: {  	_ =	sfence.sel $0x180000  }
0x95: {  	[bflag:$0x0] =	sbarrier.arrive $0xFFFF  }
0x96: {  	p0 =	sne.s32 s1, $0x0;
	_ =	strace $0x90000047  }
0x97: {  	s0 =	sadd.s32 @!p0 $0x100000, s0;
	[bflag:$0x2] =	sbarrier.arrive $0xFFFF  }
0x98: {  	[sflag:s0] =	ssyncadd.tile.s32 @!p0 $0x1;
	_ =	shalt  }
.Lfunc_end2:
_tile_overlayer_lowered:
.L_overlay_start_2:
0x99: {  	(tag) =	ssettag $0x2  }
0x9a: {  	s0 =	rddreg [dreg:$0x0];
	s2 =	stileid.u32  }
0x9b: {  	s1 =	rddreg [dreg:$0x1];
	p0 =	sne.s32 s2, $0x0  }
0x9c: {  	s3 =	rddreg [dreg:$0x2];
	[bflag:$0x3] =	sbarrier.arrive $0xFFFF;
	s2 =	simm.s32 @!p0 $0x1C02  }
0x9d: {  	[timem:s3], [sflag:s2] =	dma.local @!p0 [hbm:s0], s1  }
0x9e: {  	s0 =	simm.s32 @!p0 $0x2  }
0x9f: {  	_ =	swait.ge @!p0 [sflag:s0], s1  }
0xa0: {  	s1 =	ssub.s32 @!p0 $0x0, s1;
	[sflag:s0] =	ssyncset.done @!p0 $0x0  }
0xa1: {  	[sflag:s0] =	ssyncadd.s32 @!p0 s1  }
0xa2: {  	[bflag:$0x3] =	sbarrier.arrive $0xFFFF  }
0xa3: {  	_ =	shalt  }

</sc_bundles>
